<compile_context>
chip_gen: v7x
topology: tpu7x:2x2x1
jax: 0.10.2.dev20260603
libtpu: 0.0.44.dev20260713+nightly
codegen_flags: <defaults>
</compile_context>

<pallas_src>
import functools

import jax
import jax.numpy as jnp
from jax import lax
from jax.experimental import pallas as pl
from jax.experimental.pallas import tpu as pltpu
from jax.experimental.pallas import tpu_sc as plsc

_NC = 2
_NS = 16
_NW = _NC * _NS


def _argmin_body(x_ref, embed_ref, ind_ref, negx_ref):
    f = x_ref[...]
    c = embed_ref[...]
    ab = lax.dot_general(2.0 * f, c, (((1,), (1,)), ((), ())),
                         preferred_element_type=jnp.float32)
    f2 = jnp.sum(f * f, axis=1, keepdims=True)
    c2 = jnp.sum(c * c, axis=1)[None, :]
    dist = (f2 - ab) + c2
    m = jnp.min(dist, axis=1, keepdims=True)
    kidx = lax.broadcasted_iota(jnp.int32, dist.shape, 1)
    ind_ref[...] = jnp.min(jnp.where(dist <= m, kidx, dist.shape[1]), axis=1)
    negx_ref[...] = -f


def _sc_gather_body(ind_hbm, negx_hbm, embed_hbm, q_hbm, cd_hbm,
                    idx_v, rows_v, xb_v, sem_q, sem_c):
    wid = lax.axis_index("s") * _NC + lax.axis_index("c")
    n_rows = negx_hbm.shape[0]
    b = n_rows // _NW
    jrows = b // 128
    base = wid * b
    pltpu.sync_copy(ind_hbm.at[pl.ds(wid * jrows, jrows)], idx_v)
    pltpu.sync_copy(negx_hbm.at[pl.ds(base, b)], xb_v)
    copies = []
    for j in range(jrows):
        copies.append(pltpu.async_copy(
            embed_hbm.at[idx_v.at[j]], rows_v.at[pl.ds(j * 128, 128)], sem_q))
        copies.append(pltpu.async_copy(
            embed_hbm.at[idx_v.at[j]], xb_v.at[pl.ds(j * 128, 128)], sem_c,
            add=True))
    for cp in copies:
        cp.wait()
    pltpu.sync_copy(rows_v, q_hbm.at[pl.ds(base, b)])
    pltpu.sync_copy(xb_v, cd_hbm.at[pl.ds(base, b)])


@jax.jit
def kernel(x, embed):
    d = x.shape[-1]
    k = embed.shape[0]
    flat = x.reshape(-1, d)
    n = flat.shape[0]
    tn = 2048
    ind, negx = pl.pallas_call(
        _argmin_body,
        grid=(n // tn,),
        in_specs=[
            pl.BlockSpec((tn, d), lambda i: (i, 0)),
            pl.BlockSpec((k, d), lambda i: (0, 0)),
        ],
        out_specs=[
            pl.BlockSpec((tn,), lambda i: (i,)),
            pl.BlockSpec((tn, d), lambda i: (i, 0)),
        ],
        out_shape=[
            jax.ShapeDtypeStruct((n,), jnp.int32),
            jax.ShapeDtypeStruct((n, d), jnp.float32),
        ],
    )(flat, embed)

    b = n // _NW
    mesh = plsc.VectorSubcoreMesh(core_axis_name="c", subcore_axis_name="s")
    sc_gather = functools.partial(
        pl.kernel,
        out_type=[
            jax.ShapeDtypeStruct((n, d), jnp.float32),
            jax.ShapeDtypeStruct((n, d), jnp.float32),
        ],
        mesh=mesh,
        compiler_params=pltpu.CompilerParams(use_tc_tiling_on_sc=False),
        scratch_types=[
            pltpu.VMEM((b // 128, 128), jnp.int32),
            pltpu.VMEM((b, d), jnp.float32),
            pltpu.VMEM((b, d), jnp.float32),
            pltpu.SemaphoreType.DMA,
            pltpu.SemaphoreType.DMA,
        ],
    )(_sc_gather_body)
    q, cd = sc_gather(ind.reshape(n // 128, 128), negx, embed)
    return (q, ind, cd)

# --- scband reference (transcript-rebuilt; emitter-appended) ---
"""Pipeline reference for scband-euclidean-codebook-84877143703693 (READ-ONLY COPY).

The authoritative reference and input builder live on the scoring server;
editing this copy changes nothing except your own understanding.
"""

import jax, jax.numpy as jnp
import numpy as np


def setup_inputs(seed: int = 0) -> dict:
    key = jax.random.key(seed)
    k1, k2 = jax.random.split(key)
    x = jax.random.normal(k1, (16, 1024, 64), dtype=jnp.float32)
    # learned codebook buffer, sized per init_kwargs (codebook_size=1024, dim=64)
    embed = jax.random.normal(k2, (1024, 64), dtype=jnp.float32)
    return {"x": x, "embed": embed}


def reference(x, embed):
    # eval-mode forward of EuclideanCodebook (no EMA buffer updates, no dropout)
    flatten = x.reshape(-1, x.shape[-1])  # (N, d)
    codebook = embed  # (K, d)
    dist = ((flatten ** 2).sum(axis=1, keepdims=True)
            - 2.0 * flatten @ codebook.T
            + (codebook.T ** 2).sum(axis=0, keepdims=True))  # (N, K)
    embed_ind = jnp.argmin(dist, axis=-1)  # (N,)
    quantize = jnp.take(codebook, embed_ind, axis=0)  # (N, d)
    commit_diff = jax.lax.stop_gradient(quantize) - jax.lax.stop_gradient(flatten)
    # perplexity is None in eval mode (sample_codebook_temp == 0); omitted from tuple
    return (quantize, embed_ind, commit_diff)

if __name__ == "__main__":
    import jax
    _d = setup_inputs()
    print(jax.jit(kernel)(*tuple(_d.values())))

</pallas_src>

<mosaic_0001>
#map = affine_map<(d0, d1) -> (0, 0)>
module attributes {stable_mosaic.version = 14 : i64} {
  func.func @_sc_gather_body(%arg0: i32, %arg1: i32, %arg2: memref<128x128xi32, #tpu.memory_space<hbm>>, %arg3: memref<16384x64xf32, #tpu.memory_space<hbm>>, %arg4: memref<1024x64xf32, #tpu.memory_space<hbm>>, %arg5: memref<16384x64xf32, #tpu.memory_space<hbm>>, %arg6: memref<16384x64xf32, #tpu.memory_space<hbm>>, %arg7: memref<4x128xi32, #tpu.memory_space<vmem>>, %arg8: memref<512x64xf32, #tpu.memory_space<vmem>>, %arg9: memref<512x64xf32, #tpu.memory_space<vmem>>, %arg10: memref<!tpu.dma_semaphore, #tpu.memory_space<semaphore_mem>>, %arg11: memref<!tpu.dma_semaphore, #tpu.memory_space<semaphore_mem>>) attributes {dimension_semantics = [#tpu.dimension_semantics<core_parallel>, #tpu.dimension_semantics<subcore_parallel>], iteration_bounds = array<i64: 2, 16>, scalar_prefetch = 0 : i64, scratch_operands = 5 : i64, tpu.core_type = #tpu.core_type<sc_vector_subcore>, window_params = [{transform_indices = #map}, {transform_indices = #map}, {transform_indices = #map}, {transform_indices = #map}, {transform_indices = #map}]} {
    %mul3A = arith.constant 2 : i32
    %mul3A_0 = arith.muli %arg1, %mul3A : i32
    %add3A = arith.addi %mul3A_0, %arg0 : i32
    %mul3A_1 = arith.constant 512 : i32
    %mul3A_2 = arith.muli %add3A, %mul3A_1 : i32
    %mul3A_3 = arith.constant 4 : i32
    %mul3A_4 = arith.muli %add3A, %mul3A_3 : i32
    "tpu.region"() ({
      %run_scoped3A = tpu.sem_alloc : memref<!tpu.dma_semaphore, #tpu.memory_space<semaphore_mem>>
      %dma_start3A_163 = arith.constant 0 : i32
      %dma_start3A_164 = tpu.memref_slice %arg2[%mul3A_4, %dma_start3A_163] : memref<128x128xi32, #tpu.memory_space<hbm>> -> memref<4x128xi32, #tpu.memory_space<hbm>>
      %dma_start3A_165 = arith.constant 0 : i32
      %dma_start3A_166 = tpu.memref_slice %arg2[%mul3A_4, %dma_start3A_165] : memref<128x128xi32, #tpu.memory_space<hbm>> -> memref<4x128xi32, #tpu.memory_space<hbm>>
      tpu.enqueue_dma source(%dma_start3A_166 : memref<4x128xi32, #tpu.memory_space<hbm>>) target(%arg7 : memref<4x128xi32, #tpu.memory_space<vmem>>) target_semaphore(%run_scoped3A : memref<!tpu.dma_semaphore, #tpu.memory_space<semaphore_mem>>)
      %dma_wait3A_167 = arith.constant 0 : i32
      %dma_wait3A_168 = tpu.memref_slice %arg2[%mul3A_4, %dma_wait3A_167] : memref<128x128xi32, #tpu.memory_space<hbm>> -> memref<4x128xi32, #tpu.memory_space<hbm>>
      %dma_wait3A_169 = arith.constant 0 : i32
      %dma_wait3A_170 = tpu.memref_slice %arg2[%mul3A_4, %dma_wait3A_169] : memref<128x128xi32, #tpu.memory_space<hbm>> -> memref<4x128xi32, #tpu.memory_space<hbm>>
      tpu.wait_dma2 semaphore(%run_scoped3A : memref<!tpu.dma_semaphore, #tpu.memory_space<semaphore_mem>>) src(%dma_wait3A_170 : memref<4x128xi32, #tpu.memory_space<hbm>>) dst(%arg7 : memref<4x128xi32, #tpu.memory_space<vmem>>)
      tpu.yield
    }) : () -> ()
    "tpu.region"() ({
      %run_scoped3A = tpu.sem_alloc : memref<!tpu.dma_semaphore, #tpu.memory_space<semaphore_mem>>
      %dma_start3A_163 = arith.constant 0 : i32
      %dma_start3A_164 = tpu.memref_slice %arg3[%mul3A_2, %dma_start3A_163] : memref<16384x64xf32, #tpu.memory_space<hbm>> -> memref<512x64xf32, #tpu.memory_space<hbm>>
      %dma_start3A_165 = arith.constant 0 : i32
      %dma_start3A_166 = tpu.memref_slice %arg3[%mul3A_2, %dma_start3A_165] : memref<16384x64xf32, #tpu.memory_space<hbm>> -> memref<512x64xf32, #tpu.memory_space<hbm>>
      tpu.enqueue_dma source(%dma_start3A_166 : memref<512x64xf32, #tpu.memory_space<hbm>>) target(%arg9 : memref<512x64xf32, #tpu.memory_space<vmem>>) target_semaphore(%run_scoped3A : memref<!tpu.dma_semaphore, #tpu.memory_space<semaphore_mem>>)
      %dma_wait3A_167 = arith.constant 0 : i32
      %dma_wait3A_168 = tpu.memref_slice %arg3[%mul3A_2, %dma_wait3A_167] : memref<16384x64xf32, #tpu.memory_space<hbm>> -> memref<512x64xf32, #tpu.memory_space<hbm>>
      %dma_wait3A_169 = arith.constant 0 : i32
      %dma_wait3A_170 = tpu.memref_slice %arg3[%mul3A_2, %dma_wait3A_169] : memref<16384x64xf32, #tpu.memory_space<hbm>> -> memref<512x64xf32, #tpu.memory_space<hbm>>
      tpu.wait_dma2 semaphore(%run_scoped3A : memref<!tpu.dma_semaphore, #tpu.memory_space<semaphore_mem>>) src(%dma_wait3A_170 : memref<512x64xf32, #tpu.memory_space<hbm>>) dst(%arg9 : memref<512x64xf32, #tpu.memory_space<vmem>>)
      tpu.yield
    }) : () -> ()
    %dma_start3A = arith.constant 0 : i32
    %dma_start3A_5 = arith.constant 0 : i32
    %dma_start3A_6 = arith.constant 0 : i32
    %dma_start3A_7 = tpu.memref_slice %arg8[%dma_start3A_5, %dma_start3A_6] : memref<512x64xf32, #tpu.memory_space<vmem>> -> memref<128x64xf32, #tpu.memory_space<vmem>>
    %dma_start3A_8 = arith.constant 0 : i32
    %dma_start3A_9 = tpu.memref_slice %arg7[%dma_start3A, %dma_start3A_8] : memref<4x128xi32, #tpu.memory_space<vmem>> -> memref<1x128xi32, #tpu.memory_space<vmem>>
    %dma_start3A_10 = tpu.memref_squeeze %dma_start3A_9 : memref<1x128xi32, #tpu.memory_space<vmem>> -> memref<128xi32, #tpu.memory_space<vmem>>
    %dma_start3A_11 = arith.constant 0 : i32
    %dma_start3A_12 = arith.constant 0 : i32
    %dma_start3A_13 = tpu.memref_slice %arg4[%dma_start3A_11, %dma_start3A_12] : memref<1024x64xf32, #tpu.memory_space<hbm>> -> memref<1024x64xf32, #tpu.memory_space<hbm>>
    tpu.enqueue_indirect_dma source(%dma_start3A_13 : memref<1024x64xf32, #tpu.memory_space<hbm>>) target(%dma_start3A_7 : memref<128x64xf32, #tpu.memory_space<vmem>>) offsets(%dma_start3A_10 : memref<128xi32, #tpu.memory_space<vmem>>) semaphore(%arg10 : memref<!tpu.dma_semaphore, #tpu.memory_space<semaphore_mem>>)
    %dma_start3A_14 = arith.constant 0 : i32
    %dma_start3A_15 = arith.constant 0 : i32
    %dma_start3A_16 = arith.constant 0 : i32
    %dma_start3A_17 = tpu.memref_slice %arg9[%dma_start3A_15, %dma_start3A_16] : memref<512x64xf32, #tpu.memory_space<vmem>> -> memref<128x64xf32, #tpu.memory_space<vmem>>
    %dma_start3A_18 = arith.constant 0 : i32
    %dma_start3A_19 = tpu.memref_slice %arg7[%dma_start3A_14, %dma_start3A_18] : memref<4x128xi32, #tpu.memory_space<vmem>> -> memref<1x128xi32, #tpu.memory_space<vmem>>
    %dma_start3A_20 = tpu.memref_squeeze %dma_start3A_19 : memref<1x128xi32, #tpu.memory_space<vmem>> -> memref<128xi32, #tpu.memory_space<vmem>>
    %dma_start3A_21 = arith.constant 0 : i32
    %dma_start3A_22 = arith.constant 0 : i32
    %dma_start3A_23 = tpu.memref_slice %arg4[%dma_start3A_21, %dma_start3A_22] : memref<1024x64xf32, #tpu.memory_space<hbm>> -> memref<1024x64xf32, #tpu.memory_space<hbm>>
    tpu.enqueue_indirect_dma source(%dma_start3A_23 : memref<1024x64xf32, #tpu.memory_space<hbm>>) target(%dma_start3A_17 : memref<128x64xf32, #tpu.memory_space<vmem>>) offsets(%dma_start3A_20 : memref<128xi32, #tpu.memory_space<vmem>>) semaphore(%arg11 : memref<!tpu.dma_semaphore, #tpu.memory_space<semaphore_mem>>) {add = true}
    %dma_start3A_24 = arith.constant 1 : i32
    %dma_start3A_25 = arith.constant 128 : i32
    %dma_start3A_26 = arith.constant 0 : i32
    %dma_start3A_27 = tpu.memref_slice %arg8[%dma_start3A_25, %dma_start3A_26] : memref<512x64xf32, #tpu.memory_space<vmem>> -> memref<128x64xf32, #tpu.memory_space<vmem>>
    %dma_start3A_28 = arith.constant 0 : i32
    %dma_start3A_29 = tpu.memref_slice %arg7[%dma_start3A_24, %dma_start3A_28] : memref<4x128xi32, #tpu.memory_space<vmem>> -> memref<1x128xi32, #tpu.memory_space<vmem>>
    %dma_start3A_30 = tpu.memref_squeeze %dma_start3A_29 : memref<1x128xi32, #tpu.memory_space<vmem>> -> memref<128xi32, #tpu.memory_space<vmem>>
    %dma_start3A_31 = arith.constant 0 : i32
    %dma_start3A_32 = arith.constant 0 : i32
    %dma_start3A_33 = tpu.memref_slice %arg4[%dma_start3A_31, %dma_start3A_32] : memref<1024x64xf32, #tpu.memory_space<hbm>> -> memref<1024x64xf32, #tpu.memory_space<hbm>>
    tpu.enqueue_indirect_dma source(%dma_start3A_33 : memref<1024x64xf32, #tpu.memory_space<hbm>>) target(%dma_start3A_27 : memref<128x64xf32, #tpu.memory_space<vmem>>) offsets(%dma_start3A_30 : memref<128xi32, #tpu.memory_space<vmem>>) semaphore(%arg10 : memref<!tpu.dma_semaphore, #tpu.memory_space<semaphore_mem>>)
    %dma_start3A_34 = arith.constant 1 : i32
    %dma_start3A_35 = arith.constant 128 : i32
    %dma_start3A_36 = arith.constant 0 : i32
    %dma_start3A_37 = tpu.memref_slice %arg9[%dma_start3A_35, %dma_start3A_36] : memref<512x64xf32, #tpu.memory_space<vmem>> -> memref<128x64xf32, #tpu.memory_space<vmem>>
    %dma_start3A_38 = arith.constant 0 : i32
    %dma_start3A_39 = tpu.memref_slice %arg7[%dma_start3A_34, %dma_start3A_38] : memref<4x128xi32, #tpu.memory_space<vmem>> -> memref<1x128xi32, #tpu.memory_space<vmem>>
    %dma_start3A_40 = tpu.memref_squeeze %dma_start3A_39 : memref<1x128xi32, #tpu.memory_space<vmem>> -> memref<128xi32, #tpu.memory_space<vmem>>
    %dma_start3A_41 = arith.constant 0 : i32
    %dma_start3A_42 = arith.constant 0 : i32
    %dma_start3A_43 = tpu.memref_slice %arg4[%dma_start3A_41, %dma_start3A_42] : memref<1024x64xf32, #tpu.memory_space<hbm>> -> memref<1024x64xf32, #tpu.memory_space<hbm>>
    tpu.enqueue_indirect_dma source(%dma_start3A_43 : memref<1024x64xf32, #tpu.memory_space<hbm>>) target(%dma_start3A_37 : memref<128x64xf32, #tpu.memory_space<vmem>>) offsets(%dma_start3A_40 : memref<128xi32, #tpu.memory_space<vmem>>) semaphore(%arg11 : memref<!tpu.dma_semaphore, #tpu.memory_space<semaphore_mem>>) {add = true}
    %dma_start3A_44 = arith.constant 2 : i32
    %dma_start3A_45 = arith.constant 256 : i32
    %dma_start3A_46 = arith.constant 0 : i32
    %dma_start3A_47 = tpu.memref_slice %arg8[%dma_start3A_45, %dma_start3A_46] : memref<512x64xf32, #tpu.memory_space<vmem>> -> memref<128x64xf32, #tpu.memory_space<vmem>>
    %dma_start3A_48 = arith.constant 0 : i32
    %dma_start3A_49 = tpu.memref_slice %arg7[%dma_start3A_44, %dma_start3A_48] : memref<4x128xi32, #tpu.memory_space<vmem>> -> memref<1x128xi32, #tpu.memory_space<vmem>>
    %dma_start3A_50 = tpu.memref_squeeze %dma_start3A_49 : memref<1x128xi32, #tpu.memory_space<vmem>> -> memref<128xi32, #tpu.memory_space<vmem>>
    %dma_start3A_51 = arith.constant 0 : i32
    %dma_start3A_52 = arith.constant 0 : i32
    %dma_start3A_53 = tpu.memref_slice %arg4[%dma_start3A_51, %dma_start3A_52] : memref<1024x64xf32, #tpu.memory_space<hbm>> -> memref<1024x64xf32, #tpu.memory_space<hbm>>
    tpu.enqueue_indirect_dma source(%dma_start3A_53 : memref<1024x64xf32, #tpu.memory_space<hbm>>) target(%dma_start3A_47 : memref<128x64xf32, #tpu.memory_space<vmem>>) offsets(%dma_start3A_50 : memref<128xi32, #tpu.memory_space<vmem>>) semaphore(%arg10 : memref<!tpu.dma_semaphore, #tpu.memory_space<semaphore_mem>>)
    %dma_start3A_54 = arith.constant 2 : i32
    %dma_start3A_55 = arith.constant 256 : i32
    %dma_start3A_56 = arith.constant 0 : i32
    %dma_start3A_57 = tpu.memref_slice %arg9[%dma_start3A_55, %dma_start3A_56] : memref<512x64xf32, #tpu.memory_space<vmem>> -> memref<128x64xf32, #tpu.memory_space<vmem>>
    %dma_start3A_58 = arith.constant 0 : i32
    %dma_start3A_59 = tpu.memref_slice %arg7[%dma_start3A_54, %dma_start3A_58] : memref<4x128xi32, #tpu.memory_space<vmem>> -> memref<1x128xi32, #tpu.memory_space<vmem>>
    %dma_start3A_60 = tpu.memref_squeeze %dma_start3A_59 : memref<1x128xi32, #tpu.memory_space<vmem>> -> memref<128xi32, #tpu.memory_space<vmem>>
    %dma_start3A_61 = arith.constant 0 : i32
    %dma_start3A_62 = arith.constant 0 : i32
    %dma_start3A_63 = tpu.memref_slice %arg4[%dma_start3A_61, %dma_start3A_62] : memref<1024x64xf32, #tpu.memory_space<hbm>> -> memref<1024x64xf32, #tpu.memory_space<hbm>>
    tpu.enqueue_indirect_dma source(%dma_start3A_63 : memref<1024x64xf32, #tpu.memory_space<hbm>>) target(%dma_start3A_57 : memref<128x64xf32, #tpu.memory_space<vmem>>) offsets(%dma_start3A_60 : memref<128xi32, #tpu.memory_space<vmem>>) semaphore(%arg11 : memref<!tpu.dma_semaphore, #tpu.memory_space<semaphore_mem>>) {add = true}
    %dma_start3A_64 = arith.constant 3 : i32
    %dma_start3A_65 = arith.constant 384 : i32
    %dma_start3A_66 = arith.constant 0 : i32
    %dma_start3A_67 = tpu.memref_slice %arg8[%dma_start3A_65, %dma_start3A_66] : memref<512x64xf32, #tpu.memory_space<vmem>> -> memref<128x64xf32, #tpu.memory_space<vmem>>
    %dma_start3A_68 = arith.constant 0 : i32
    %dma_start3A_69 = tpu.memref_slice %arg7[%dma_start3A_64, %dma_start3A_68] : memref<4x128xi32, #tpu.memory_space<vmem>> -> memref<1x128xi32, #tpu.memory_space<vmem>>
    %dma_start3A_70 = tpu.memref_squeeze %dma_start3A_69 : memref<1x128xi32, #tpu.memory_space<vmem>> -> memref<128xi32, #tpu.memory_space<vmem>>
    %dma_start3A_71 = arith.constant 0 : i32
    %dma_start3A_72 = arith.constant 0 : i32
    %dma_start3A_73 = tpu.memref_slice %arg4[%dma_start3A_71, %dma_start3A_72] : memref<1024x64xf32, #tpu.memory_space<hbm>> -> memref<1024x64xf32, #tpu.memory_space<hbm>>
    tpu.enqueue_indirect_dma source(%dma_start3A_73 : memref<1024x64xf32, #tpu.memory_space<hbm>>) target(%dma_start3A_67 : memref<128x64xf32, #tpu.memory_space<vmem>>) offsets(%dma_start3A_70 : memref<128xi32, #tpu.memory_space<vmem>>) semaphore(%arg10 : memref<!tpu.dma_semaphore, #tpu.memory_space<semaphore_mem>>)
    %dma_start3A_74 = arith.constant 3 : i32
    %dma_start3A_75 = arith.constant 384 : i32
    %dma_start3A_76 = arith.constant 0 : i32
    %dma_start3A_77 = tpu.memref_slice %arg9[%dma_start3A_75, %dma_start3A_76] : memref<512x64xf32, #tpu.memory_space<vmem>> -> memref<128x64xf32, #tpu.memory_space<vmem>>
    %dma_start3A_78 = arith.constant 0 : i32
    %dma_start3A_79 = tpu.memref_slice %arg7[%dma_start3A_74, %dma_start3A_78] : memref<4x128xi32, #tpu.memory_space<vmem>> -> memref<1x128xi32, #tpu.memory_space<vmem>>
    %dma_start3A_80 = tpu.memref_squeeze %dma_start3A_79 : memref<1x128xi32, #tpu.memory_space<vmem>> -> memref<128xi32, #tpu.memory_space<vmem>>
    %dma_start3A_81 = arith.constant 0 : i32
    %dma_start3A_82 = arith.constant 0 : i32
    %dma_start3A_83 = tpu.memref_slice %arg4[%dma_start3A_81, %dma_start3A_82] : memref<1024x64xf32, #tpu.memory_space<hbm>> -> memref<1024x64xf32, #tpu.memory_space<hbm>>
    tpu.enqueue_indirect_dma source(%dma_start3A_83 : memref<1024x64xf32, #tpu.memory_space<hbm>>) target(%dma_start3A_77 : memref<128x64xf32, #tpu.memory_space<vmem>>) offsets(%dma_start3A_80 : memref<128xi32, #tpu.memory_space<vmem>>) semaphore(%arg11 : memref<!tpu.dma_semaphore, #tpu.memory_space<semaphore_mem>>) {add = true}
    %dma_wait3A = arith.constant 0 : i32
    %dma_wait3A_84 = arith.constant 0 : i32
    %dma_wait3A_85 = arith.constant 0 : i32
    %dma_wait3A_86 = tpu.memref_slice %arg8[%dma_wait3A_84, %dma_wait3A_85] : memref<512x64xf32, #tpu.memory_space<vmem>> -> memref<128x64xf32, #tpu.memory_space<vmem>>
    %dma_wait3A_87 = arith.constant 0 : i32
    %dma_wait3A_88 = tpu.memref_slice %arg7[%dma_wait3A, %dma_wait3A_87] : memref<4x128xi32, #tpu.memory_space<vmem>> -> memref<1x128xi32, #tpu.memory_space<vmem>>
    %dma_wait3A_89 = tpu.memref_squeeze %dma_wait3A_88 : memref<1x128xi32, #tpu.memory_space<vmem>> -> memref<128xi32, #tpu.memory_space<vmem>>
    %dma_wait3A_90 = arith.constant 0 : i32
    %dma_wait3A_91 = arith.constant 0 : i32
    %dma_wait3A_92 = tpu.memref_slice %arg4[%dma_wait3A_90, %dma_wait3A_91] : memref<1024x64xf32, #tpu.memory_space<hbm>> -> memref<1024x64xf32, #tpu.memory_space<hbm>>
    tpu.wait_indirect_dma semaphore(%arg10 : memref<!tpu.dma_semaphore, #tpu.memory_space<semaphore_mem>>) src(%dma_wait3A_92 : memref<1024x64xf32, #tpu.memory_space<hbm>>) dst(%dma_wait3A_86 : memref<128x64xf32, #tpu.memory_space<vmem>>)
    %dma_wait3A_93 = arith.constant 0 : i32
    %dma_wait3A_94 = arith.constant 0 : i32
    %dma_wait3A_95 = arith.constant 0 : i32
    %dma_wait3A_96 = tpu.memref_slice %arg9[%dma_wait3A_94, %dma_wait3A_95] : memref<512x64xf32, #tpu.memory_space<vmem>> -> memref<128x64xf32, #tpu.memory_space<vmem>>
    %dma_wait3A_97 = arith.constant 0 : i32
    %dma_wait3A_98 = tpu.memref_slice %arg7[%dma_wait3A_93, %dma_wait3A_97] : memref<4x128xi32, #tpu.memory_space<vmem>> -> memref<1x128xi32, #tpu.memory_space<vmem>>
    %dma_wait3A_99 = tpu.memref_squeeze %dma_wait3A_98 : memref<1x128xi32, #tpu.memory_space<vmem>> -> memref<128xi32, #tpu.memory_space<vmem>>
    %dma_wait3A_100 = arith.constant 0 : i32
    %dma_wait3A_101 = arith.constant 0 : i32
    %dma_wait3A_102 = tpu.memref_slice %arg4[%dma_wait3A_100, %dma_wait3A_101] : memref<1024x64xf32, #tpu.memory_space<hbm>> -> memref<1024x64xf32, #tpu.memory_space<hbm>>
    tpu.wait_indirect_dma semaphore(%arg11 : memref<!tpu.dma_semaphore, #tpu.memory_space<semaphore_mem>>) src(%dma_wait3A_102 : memref<1024x64xf32, #tpu.memory_space<hbm>>) dst(%dma_wait3A_96 : memref<128x64xf32, #tpu.memory_space<vmem>>)
    %dma_wait3A_103 = arith.constant 1 : i32
    %dma_wait3A_104 = arith.constant 128 : i32
    %dma_wait3A_105 = arith.constant 0 : i32
    %dma_wait3A_106 = tpu.memref_slice %arg8[%dma_wait3A_104, %dma_wait3A_105] : memref<512x64xf32, #tpu.memory_space<vmem>> -> memref<128x64xf32, #tpu.memory_space<vmem>>
    %dma_wait3A_107 = arith.constant 0 : i32
    %dma_wait3A_108 = tpu.memref_slice %arg7[%dma_wait3A_103, %dma_wait3A_107] : memref<4x128xi32, #tpu.memory_space<vmem>> -> memref<1x128xi32, #tpu.memory_space<vmem>>
    %dma_wait3A_109 = tpu.memref_squeeze %dma_wait3A_108 : memref<1x128xi32, #tpu.memory_space<vmem>> -> memref<128xi32, #tpu.memory_space<vmem>>
    %dma_wait3A_110 = arith.constant 0 : i32
    %dma_wait3A_111 = arith.constant 0 : i32
    %dma_wait3A_112 = tpu.memref_slice %arg4[%dma_wait3A_110, %dma_wait3A_111] : memref<1024x64xf32, #tpu.memory_space<hbm>> -> memref<1024x64xf32, #tpu.memory_space<hbm>>
    tpu.wait_indirect_dma semaphore(%arg10 : memref<!tpu.dma_semaphore, #tpu.memory_space<semaphore_mem>>) src(%dma_wait3A_112 : memref<1024x64xf32, #tpu.memory_space<hbm>>) dst(%dma_wait3A_106 : memref<128x64xf32, #tpu.memory_space<vmem>>)
    %dma_wait3A_113 = arith.constant 1 : i32
    %dma_wait3A_114 = arith.constant 128 : i32
    %dma_wait3A_115 = arith.constant 0 : i32
    %dma_wait3A_116 = tpu.memref_slice %arg9[%dma_wait3A_114, %dma_wait3A_115] : memref<512x64xf32, #tpu.memory_space<vmem>> -> memref<128x64xf32, #tpu.memory_space<vmem>>
    %dma_wait3A_117 = arith.constant 0 : i32
    %dma_wait3A_118 = tpu.memref_slice %arg7[%dma_wait3A_113, %dma_wait3A_117] : memref<4x128xi32, #tpu.memory_space<vmem>> -> memref<1x128xi32, #tpu.memory_space<vmem>>
    %dma_wait3A_119 = tpu.memref_squeeze %dma_wait3A_118 : memref<1x128xi32, #tpu.memory_space<vmem>> -> memref<128xi32, #tpu.memory_space<vmem>>
    %dma_wait3A_120 = arith.constant 0 : i32
    %dma_wait3A_121 = arith.constant 0 : i32
    %dma_wait3A_122 = tpu.memref_slice %arg4[%dma_wait3A_120, %dma_wait3A_121] : memref<1024x64xf32, #tpu.memory_space<hbm>> -> memref<1024x64xf32, #tpu.memory_space<hbm>>
    tpu.wait_indirect_dma semaphore(%arg11 : memref<!tpu.dma_semaphore, #tpu.memory_space<semaphore_mem>>) src(%dma_wait3A_122 : memref<1024x64xf32, #tpu.memory_space<hbm>>) dst(%dma_wait3A_116 : memref<128x64xf32, #tpu.memory_space<vmem>>)
    %dma_wait3A_123 = arith.constant 2 : i32
    %dma_wait3A_124 = arith.constant 256 : i32
    %dma_wait3A_125 = arith.constant 0 : i32
    %dma_wait3A_126 = tpu.memref_slice %arg8[%dma_wait3A_124, %dma_wait3A_125] : memref<512x64xf32, #tpu.memory_space<vmem>> -> memref<128x64xf32, #tpu.memory_space<vmem>>
    %dma_wait3A_127 = arith.constant 0 : i32
    %dma_wait3A_128 = tpu.memref_slice %arg7[%dma_wait3A_123, %dma_wait3A_127] : memref<4x128xi32, #tpu.memory_space<vmem>> -> memref<1x128xi32, #tpu.memory_space<vmem>>
    %dma_wait3A_129 = tpu.memref_squeeze %dma_wait3A_128 : memref<1x128xi32, #tpu.memory_space<vmem>> -> memref<128xi32, #tpu.memory_space<vmem>>
    %dma_wait3A_130 = arith.constant 0 : i32
    %dma_wait3A_131 = arith.constant 0 : i32
    %dma_wait3A_132 = tpu.memref_slice %arg4[%dma_wait3A_130, %dma_wait3A_131] : memref<1024x64xf32, #tpu.memory_space<hbm>> -> memref<1024x64xf32, #tpu.memory_space<hbm>>
    tpu.wait_indirect_dma semaphore(%arg10 : memref<!tpu.dma_semaphore, #tpu.memory_space<semaphore_mem>>) src(%dma_wait3A_132 : memref<1024x64xf32, #tpu.memory_space<hbm>>) dst(%dma_wait3A_126 : memref<128x64xf32, #tpu.memory_space<vmem>>)
    %dma_wait3A_133 = arith.constant 2 : i32
    %dma_wait3A_134 = arith.constant 256 : i32
    %dma_wait3A_135 = arith.constant 0 : i32
    %dma_wait3A_136 = tpu.memref_slice %arg9[%dma_wait3A_134, %dma_wait3A_135] : memref<512x64xf32, #tpu.memory_space<vmem>> -> memref<128x64xf32, #tpu.memory_space<vmem>>
    %dma_wait3A_137 = arith.constant 0 : i32
    %dma_wait3A_138 = tpu.memref_slice %arg7[%dma_wait3A_133, %dma_wait3A_137] : memref<4x128xi32, #tpu.memory_space<vmem>> -> memref<1x128xi32, #tpu.memory_space<vmem>>
    %dma_wait3A_139 = tpu.memref_squeeze %dma_wait3A_138 : memref<1x128xi32, #tpu.memory_space<vmem>> -> memref<128xi32, #tpu.memory_space<vmem>>
    %dma_wait3A_140 = arith.constant 0 : i32
    %dma_wait3A_141 = arith.constant 0 : i32
    %dma_wait3A_142 = tpu.memref_slice %arg4[%dma_wait3A_140, %dma_wait3A_141] : memref<1024x64xf32, #tpu.memory_space<hbm>> -> memref<1024x64xf32, #tpu.memory_space<hbm>>
    tpu.wait_indirect_dma semaphore(%arg11 : memref<!tpu.dma_semaphore, #tpu.memory_space<semaphore_mem>>) src(%dma_wait3A_142 : memref<1024x64xf32, #tpu.memory_space<hbm>>) dst(%dma_wait3A_136 : memref<128x64xf32, #tpu.memory_space<vmem>>)
    %dma_wait3A_143 = arith.constant 3 : i32
    %dma_wait3A_144 = arith.constant 384 : i32
    %dma_wait3A_145 = arith.constant 0 : i32
    %dma_wait3A_146 = tpu.memref_slice %arg8[%dma_wait3A_144, %dma_wait3A_145] : memref<512x64xf32, #tpu.memory_space<vmem>> -> memref<128x64xf32, #tpu.memory_space<vmem>>
    %dma_wait3A_147 = arith.constant 0 : i32
    %dma_wait3A_148 = tpu.memref_slice %arg7[%dma_wait3A_143, %dma_wait3A_147] : memref<4x128xi32, #tpu.memory_space<vmem>> -> memref<1x128xi32, #tpu.memory_space<vmem>>
    %dma_wait3A_149 = tpu.memref_squeeze %dma_wait3A_148 : memref<1x128xi32, #tpu.memory_space<vmem>> -> memref<128xi32, #tpu.memory_space<vmem>>
    %dma_wait3A_150 = arith.constant 0 : i32
    %dma_wait3A_151 = arith.constant 0 : i32
    %dma_wait3A_152 = tpu.memref_slice %arg4[%dma_wait3A_150, %dma_wait3A_151] : memref<1024x64xf32, #tpu.memory_space<hbm>> -> memref<1024x64xf32, #tpu.memory_space<hbm>>
    tpu.wait_indirect_dma semaphore(%arg10 : memref<!tpu.dma_semaphore, #tpu.memory_space<semaphore_mem>>) src(%dma_wait3A_152 : memref<1024x64xf32, #tpu.memory_space<hbm>>) dst(%dma_wait3A_146 : memref<128x64xf32, #tpu.memory_space<vmem>>)
    %dma_wait3A_153 = arith.constant 3 : i32
    %dma_wait3A_154 = arith.constant 384 : i32
    %dma_wait3A_155 = arith.constant 0 : i32
    %dma_wait3A_156 = tpu.memref_slice %arg9[%dma_wait3A_154, %dma_wait3A_155] : memref<512x64xf32, #tpu.memory_space<vmem>> -> memref<128x64xf32, #tpu.memory_space<vmem>>
    %dma_wait3A_157 = arith.constant 0 : i32
    %dma_wait3A_158 = tpu.memref_slice %arg7[%dma_wait3A_153, %dma_wait3A_157] : memref<4x128xi32, #tpu.memory_space<vmem>> -> memref<1x128xi32, #tpu.memory_space<vmem>>
    %dma_wait3A_159 = tpu.memref_squeeze %dma_wait3A_158 : memref<1x128xi32, #tpu.memory_space<vmem>> -> memref<128xi32, #tpu.memory_space<vmem>>
    %dma_wait3A_160 = arith.constant 0 : i32
    %dma_wait3A_161 = arith.constant 0 : i32
    %dma_wait3A_162 = tpu.memref_slice %arg4[%dma_wait3A_160, %dma_wait3A_161] : memref<1024x64xf32, #tpu.memory_space<hbm>> -> memref<1024x64xf32, #tpu.memory_space<hbm>>
    tpu.wait_indirect_dma semaphore(%arg11 : memref<!tpu.dma_semaphore, #tpu.memory_space<semaphore_mem>>) src(%dma_wait3A_162 : memref<1024x64xf32, #tpu.memory_space<hbm>>) dst(%dma_wait3A_156 : memref<128x64xf32, #tpu.memory_space<vmem>>)
    "tpu.region"() ({
      %run_scoped3A = tpu.sem_alloc : memref<!tpu.dma_semaphore, #tpu.memory_space<semaphore_mem>>
      %dma_start3A_163 = arith.constant 0 : i32
      %dma_start3A_164 = tpu.memref_slice %arg5[%mul3A_2, %dma_start3A_163] : memref<16384x64xf32, #tpu.memory_space<hbm>> -> memref<512x64xf32, #tpu.memory_space<hbm>>
      %dma_start3A_165 = arith.constant 0 : i32
      %dma_start3A_166 = tpu.memref_slice %arg5[%mul3A_2, %dma_start3A_165] : memref<16384x64xf32, #tpu.memory_space<hbm>> -> memref<512x64xf32, #tpu.memory_space<hbm>>
      tpu.enqueue_dma source(%arg8 : memref<512x64xf32, #tpu.memory_space<vmem>>) target(%dma_start3A_166 : memref<512x64xf32, #tpu.memory_space<hbm>>) target_semaphore(%run_scoped3A : memref<!tpu.dma_semaphore, #tpu.memory_space<semaphore_mem>>)
      %dma_wait3A_167 = arith.constant 0 : i32
      %dma_wait3A_168 = tpu.memref_slice %arg5[%mul3A_2, %dma_wait3A_167] : memref<16384x64xf32, #tpu.memory_space<hbm>> -> memref<512x64xf32, #tpu.memory_space<hbm>>
      %dma_wait3A_169 = arith.constant 0 : i32
      %dma_wait3A_170 = tpu.memref_slice %arg5[%mul3A_2, %dma_wait3A_169] : memref<16384x64xf32, #tpu.memory_space<hbm>> -> memref<512x64xf32, #tpu.memory_space<hbm>>
      tpu.wait_dma2 semaphore(%run_scoped3A : memref<!tpu.dma_semaphore, #tpu.memory_space<semaphore_mem>>) src(%arg8 : memref<512x64xf32, #tpu.memory_space<vmem>>) dst(%dma_wait3A_170 : memref<512x64xf32, #tpu.memory_space<hbm>>)
      tpu.yield
    }) : () -> ()
    "tpu.region"() ({
      %run_scoped3A = tpu.sem_alloc : memref<!tpu.dma_semaphore, #tpu.memory_space<semaphore_mem>>
      %dma_start3A_163 = arith.constant 0 : i32
      %dma_start3A_164 = tpu.memref_slice %arg6[%mul3A_2, %dma_start3A_163] : memref<16384x64xf32, #tpu.memory_space<hbm>> -> memref<512x64xf32, #tpu.memory_space<hbm>>
      %dma_start3A_165 = arith.constant 0 : i32
      %dma_start3A_166 = tpu.memref_slice %arg6[%mul3A_2, %dma_start3A_165] : memref<16384x64xf32, #tpu.memory_space<hbm>> -> memref<512x64xf32, #tpu.memory_space<hbm>>
      tpu.enqueue_dma source(%arg9 : memref<512x64xf32, #tpu.memory_space<vmem>>) target(%dma_start3A_166 : memref<512x64xf32, #tpu.memory_space<hbm>>) target_semaphore(%run_scoped3A : memref<!tpu.dma_semaphore, #tpu.memory_space<semaphore_mem>>)
      %dma_wait3A_167 = arith.constant 0 : i32
      %dma_wait3A_168 = tpu.memref_slice %arg6[%mul3A_2, %dma_wait3A_167] : memref<16384x64xf32, #tpu.memory_space<hbm>> -> memref<512x64xf32, #tpu.memory_space<hbm>>
      %dma_wait3A_169 = arith.constant 0 : i32
      %dma_wait3A_170 = tpu.memref_slice %arg6[%mul3A_2, %dma_wait3A_169] : memref<16384x64xf32, #tpu.memory_space<hbm>> -> memref<512x64xf32, #tpu.memory_space<hbm>>
      tpu.wait_dma2 semaphore(%run_scoped3A : memref<!tpu.dma_semaphore, #tpu.memory_space<semaphore_mem>>) src(%arg9 : memref<512x64xf32, #tpu.memory_space<vmem>>) dst(%dma_wait3A_170 : memref<512x64xf32, #tpu.memory_space<hbm>>)
      tpu.yield
    }) : () -> ()
    return
  }
}

module attributes {stable_mosaic.version = 14 : i64} {
  func.func @_argmin_body(%arg0: i32, %arg1: memref<2048x64xf32, #tpu.memory_space<vmem>>, %arg2: memref<1024x64xf32, #tpu.memory_space<vmem>>, %arg3: memref<2048xi32, #tpu.memory_space<vmem>>, %arg4: memref<2048x64xf32, #tpu.memory_space<vmem>>) attributes {dimension_semantics = [#tpu.dimension_semantics<arbitrary>], iteration_bounds = array<i64: 8>, scalar_prefetch = 0 : i64, scratch_operands = 0 : i64, tpu.core_type = #tpu.core_type<tc>, window_params = [{transform_indices = @transform_0, window_bounds = array<i64: 2048, 64>}, {pipeline_mode = #tpu.pipeline_mode<synchronous>, transform_indices = @transform_1, window_bounds = array<i64: 1024, 64>}, {transform_indices = @transform_2, window_bounds = array<i64: 2048>}, {transform_indices = @transform_3, window_bounds = array<i64: 2048, 64>}]} {
    %get3A = arith.constant 0 : index
    %get3A_0 = arith.constant 0 : index
    %get3A_1 = vector.load %arg1[%get3A, %get3A_0] : memref<2048x64xf32, #tpu.memory_space<vmem>>, vector<2048x64xf32>
    %get3A_2 = arith.constant 0 : index
    %get3A_3 = arith.constant 0 : index
    %get3A_4 = vector.load %arg2[%get3A_2, %get3A_3] : memref<1024x64xf32, #tpu.memory_space<vmem>>, vector<1024x64xf32>
    %mul3A = arith.constant 2.000000e+00 : f32
    %mul3A_5 = vector.broadcast %mul3A : f32 to vector<2048x64xf32>
    %mul3A_6 = arith.mulf %mul3A_5, %get3A_1 : vector<2048x64xf32>
    %dot_general3A = arith.constant dense<0.000000e+00> : vector<2048x1024xf32>
    %dot_general3A_7 = tpu.matmul %mul3A_6, %get3A_4, %dot_general3A {dimension_numbers = #tpu.dot_dimension_numbers<[1], [1], [0], [0], [0, 0, 1, 0], [], []>, transpose_lhs_hint = false} : vector<2048x64xf32>, vector<1024x64xf32>, vector<2048x1024xf32> -> vector<2048x1024xf32>
    %mul3A_8 = arith.mulf %get3A_1, %get3A_1 : vector<2048x64xf32>
    %reduce_sum3A = arith.constant dense<0.000000e+00> : vector<2048xf32>
    %reduce_sum3A_9 = vector.multi_reduction <add>, %mul3A_8, %reduce_sum3A [1] : vector<2048x64xf32> to vector<2048xf32>
    %broadcast_in_dim3A = vector.shape_cast %reduce_sum3A_9 : vector<2048xf32> to vector<2048x1xf32>
    %mul3A_10 = arith.mulf %get3A_4, %get3A_4 : vector<1024x64xf32>
    %reduce_sum3A_11 = arith.constant dense<0.000000e+00> : vector<1024xf32>
    %reduce_sum3A_12 = vector.multi_reduction <add>, %mul3A_10, %reduce_sum3A_11 [1] : vector<1024x64xf32> to vector<1024xf32>
    %broadcast_in_dim3A_13 = vector.shape_cast %reduce_sum3A_12 : vector<1024xf32> to vector<1x1024xf32>
    %sub3A = vector.broadcast %broadcast_in_dim3A : vector<2048x1xf32> to vector<2048x1024xf32>
    %sub3A_14 = arith.subf %sub3A, %dot_general3A_7 : vector<2048x1024xf32>
    %add3A = vector.broadcast %broadcast_in_dim3A_13 : vector<1x1024xf32> to vector<2048x1024xf32>
    %add3A_15 = arith.addf %sub3A_14, %add3A : vector<2048x1024xf32>
    %reduce_min3A = arith.constant dense<0x7F800000> : vector<2048xf32>
    %reduce_min3A_16 = vector.multi_reduction <minimumf>, %add3A_15, %reduce_min3A [1] : vector<2048x1024xf32> to vector<2048xf32>
    %broadcast_in_dim3A_17 = vector.shape_cast %reduce_min3A_16 : vector<2048xf32> to vector<2048x1xf32>
    %iota3A = tpu.iota {dimensions = array<i32: 1>} : vector<2048x1024xi32>
    %le3A = vector.broadcast %broadcast_in_dim3A_17 : vector<2048x1xf32> to vector<2048x1024xf32>
    %le3A_18 = arith.cmpf ole, %add3A_15, %le3A : vector<2048x1024xf32>
    %jit3A = arith.constant 1024 : i32
    %broadcast_in_dim3A_19 = vector.broadcast %jit3A : i32 to vector<2048x1024xi32>
    %select_n3A = arith.select %le3A_18, %iota3A, %broadcast_in_dim3A_19 : vector<2048x1024xi1>, vector<2048x1024xi32>
    %reduce_min3A_20 = arith.constant dense<2147483647> : vector<2048xi32>
    %reduce_min3A_21 = vector.multi_reduction <minsi>, %select_n3A, %reduce_min3A_20 [1] : vector<2048x1024xi32> to vector<2048xi32>
    %swap3A = arith.constant 0 : index
    %swap3A_22 = vector.load %arg3[%swap3A] : memref<2048xi32, #tpu.memory_space<vmem>>, vector<2048xi32>
    tpu.vector_store %arg3[%swap3A], %reduce_min3A_21 {strides = array<i32>} : memref<2048xi32, #tpu.memory_space<vmem>>, vector<2048xi32>,
    %neg3A = arith.constant 0.000000e+00 : f32
    %neg3A_23 = vector.broadcast %neg3A : f32 to vector<2048x64xf32>
    %neg3A_24 = arith.subf %neg3A_23, %get3A_1 : vector<2048x64xf32>
    %swap3A_25 = arith.constant 0 : index
    %swap3A_26 = arith.constant 0 : index
    %swap3A_27 = vector.load %arg4[%swap3A_25, %swap3A_26] : memref<2048x64xf32, #tpu.memory_space<vmem>>, vector<2048x64xf32>
    tpu.vector_store %arg4[%swap3A_25, %swap3A_26], %neg3A_24 {strides = array<i32>} : memref<2048x64xf32, #tpu.memory_space<vmem>>, vector<2048x64xf32>,
    return
  }
  func.func @transform_0(%arg0: i32) -> (i32, i32) {
    %c0_i32 = arith.constant 0 : i32
    %c0_i32_0 = arith.constant 0 : i32
    return %arg0, %c0_i32 : i32, i32
  }
  func.func @transform_1(%arg0: i32) -> (i32, i32) {
    %c0_i32 = arith.constant 0 : i32
    %c0_i32_0 = arith.constant 0 : i32
    %c0_i32_1 = arith.constant 0 : i32
    return %c0_i32, %c0_i32_0 : i32, i32
  }
  func.func @transform_2(%arg0: i32) -> i32 {
    %c0_i32 = arith.constant 0 : i32
    return %arg0 : i32
  }
  func.func @transform_3(%arg0: i32) -> (i32, i32) {
    %c0_i32 = arith.constant 0 : i32
    %c0_i32_0 = arith.constant 0 : i32
    return %arg0, %c0_i32 : i32, i32
  }
}

</mosaic_0001>

<sc_bundles>
// kernel: kernel.4.cloned.1.call-start
scs
__scs_entry_jumppad:
0x0: {  	(pc) =	sbr.rel $0x88, $3  }
0x1: {  	(tag) =	ssettag $0x0;
	lr =	simm.s32 $0x1  }
0x2: {  	[smem:$0x3F9F] =	sst lr;
	_ =	strace $0xD0000000  }
0x3: {  	_ = 	snop  }
0x4: {  	_ = 	snop  }
0x5: {  	_ = 	snop  }
0x6: {  	_ = 	snop  }
0x7: {  	_ = 	snop  }
__scs_overlays_trampoline_lowered:
0x8: {  	[smem:$0x3FAE] =	sst s0  }
0x9: {  	[smem:$0x3FAF] =	sst s1  }
0xa: {  	[smem:$0x3FB0] =	sst s2  }
0xb: {  	[smem:$0x3FB1] =	sst s3  }
0xc: {  	[smem:$0x3FB2] =	sst s4  }
0xd: {  	[smem:$0x3FB3] =	sst s5  }
0xe: {  	[smem:$0x3FB4] =	sst s6  }
0xf: {  	[smem:$0x3FB5] =	sst s7  }
0x10: {  	[smem:$0x3FB6] =	sst s8  }
0x11: {  	[smem:$0x3FB7] =	sst s9;
	s0 =	simm.s32 @!p0 $0x0  }
0x12: {  	s1 =	sld [smem:$0x3F9D];
	s0 =	simm.s32 @p0 $0x1  }
0x13: {  	[smem:$0x3FB8] =	sst s0;
	s0 =	simm.s32 @!p1 $0x0  }
0x14: {  	s2 =	sld [smem:$0x3F9C];
	s0 =	simm.s32 @p1 $0x1  }
0x15: {  	[smem:$0x3FB9] =	sst s0;
	s0 =	simm.s32 @!p2 $0x0  }
0x16: {  	s3 =	sld [smem:$0x3FDB];
	s0 =	simm.s32 @p2 $0x1  }
0x17: {  	s4 =	simm.s32 $0x1BF5;
	[smem:$0x3FBB] =	sst s0  }
0x18: {  	s0 =	sld [smem:$0x3F9E];
	_ =	swait.ge [sflag:s4], $0x0  }
0x19: {  	s7 =	sld [smem:$0x3F9F]  }
0x1a: {  	s8 =	sadd.s32 $0xFFFFE003, lr  }
0x1b: {  	s9 =	sadd.s32 $0xFFFFFEF7, lr;
	s5 =	simm.s32 $0xFFFFFFFF;
	p2 =	slt.u32 s8, $0xFFFFF086  }
0x1c: {  	p1 =	slt.u32 s9, $0xF7A;
	s5 =	simm.s32 @!p2 $0x0  }
0x1d: {  	s5 =	simm.s32 @p1 $0x1;
	p0 =	seq.s32 s7, s2  }
0x1e: {  	s7 =	smul.u32 @!p0 $0xF7A, s2;
	p2 =	seq.s32 @!p0 s5, $0x0  }
0x1f: {  	s9 =	smul.u32 $0xF7A, s1;
	s8 =	simm.s32 @!p0 $0x1BF5;
	p2 =	por !p2, p0  }
0x20: {  	[sflag:s8] =	ssyncset.s32 @!p0 $0xFFFFF086;
	s6 =	sadd.s32 @!p0 s3, s7;
	s7 =	simm.s32 @!p0 $0x108  }
0x21: {  	s3 =	sadd.s32 s3, s9;
	s6 =	sadd.s32 @!p0 $0x88, s6;
	s7 =	simm.s32 @p2 $0x1082  }
0x22: {  	[simem:s7], [sflag:s8] =	dma.local @!p0 [hbm:s6], $0xF7A  }
0x23: {  	s9 =	sor.u32 $0xD0000000, s2;
	s6 =	simm.s32 $0x108;
	_ =	swait.ge @!p0 [sflag:s8], $0x0  }
0x24: {  	s3 =	sadd.s32 $0x88, s3;
	s6 =	simm.s32 @!p1 $0x1082;
	[sflag:s4] =	ssyncset.s32 $0xFFFFF086  }
0x25: {  	[simem:s6], [sflag:s4] =	dma.local [hbm:s3], $0xF7A  }
0x26: {  	[smem:$0x3F9F] =	sst s1;
	(tag) =	ssettag s2;
	_ =	strace s9  }
0x27: {  	s1 =	sld [smem:$0x3FAF]  }
0x28: {  	s2 =	sld [smem:$0x3FB0]  }
0x29: {  	s4 =	sld [smem:$0x3FB2]  }
0x2a: {  	p0 =	seq.s32 s5, $0x0;
	s5 =	sld [smem:$0x3FB3]  }
0x2b: {  	s6 =	sld [smem:$0x3FB4]  }
0x2c: {  	s7 =	sld [smem:$0x3FB5]  }
0x2d: {  	s3 =	simm.s32 $0x108;
	s8 =	sld [smem:$0x3FB6]  }
0x2e: {  	s3 =	simm.s32 @!p0 $0x1082;
	s9 =	sld [smem:$0x3FB7]  }
0x2f: {  	lr =	sadd.s32 s0, s3;
	s0 =	sld [smem:$0x3FAE]  }
0x30: {  	s3 =	sld [smem:$0x3FB1]  }
0x31: {  	[smem:$0x3FBA] =	sst s10  }
0x32: {  	s10 =	sld [smem:$0x3FB8];
	_ =	sdelay $0x3  }
0x33: {  	p0 =	seq.s32 s10, $0x1;
	s10 =	sld [smem:$0x3FBA];
	_ =	sdelay $0x3  }
0x34: {  	[smem:$0x3FBA] =	sst s10  }
0x35: {  	s10 =	sld [smem:$0x3FB9];
	_ =	sdelay $0x3  }
0x36: {  	p1 =	seq.s32 s10, $0x1;
	s10 =	sld [smem:$0x3FBA];
	_ =	sdelay $0x3  }
0x37: {  	[smem:$0x3FBA] =	sst s10  }
0x38: {  	s10 =	sld [smem:$0x3FBB]  }
0x39: {  	_ = 	snop;
	(pc) =	sbr.ind lr, $3  }
0x3a: {  	_ = 	snop  }
0x3b: {  	_ = 	snop  }
0x3c: {  	p2 =	seq.s32 s10, $0x1;
	s10 =	sld [smem:$0x3FBA]  }
0x3d: {  	_ =	shalt  }
0x3e: {  	_ =	shalt  }
0x3f: {  	_ =	shalt  }
0x40: {  	_ =	shalt  }
0x41: {  	_ =	shalt  }
0x42: {  	_ =	shalt  }
0x43: {  	_ =	shalt  }
0x44: {  	_ =	shalt  }
0x45: {  	_ =	shalt  }
0x46: {  	_ =	shalt  }
0x47: {  	_ =	shalt  }
0x48: {  	_ =	shalt  }
0x49: {  	_ =	shalt  }
0x4a: {  	_ =	shalt  }
0x4b: {  	_ =	shalt  }
0x4c: {  	_ =	shalt  }
0x4d: {  	_ =	shalt  }
0x4e: {  	_ =	shalt  }
0x4f: {  	_ =	shalt  }
0x50: {  	_ =	shalt  }
0x51: {  	_ =	shalt  }
0x52: {  	_ =	shalt  }
0x53: {  	_ =	shalt  }
0x54: {  	_ =	shalt  }
0x55: {  	_ =	shalt  }
0x56: {  	_ =	shalt  }
0x57: {  	_ =	shalt  }
0x58: {  	_ =	shalt  }
0x59: {  	_ =	shalt  }
0x5a: {  	_ =	shalt  }
0x5b: {  	_ =	shalt  }
0x5c: {  	_ =	shalt  }
0x5d: {  	_ =	shalt  }
0x5e: {  	_ =	shalt  }
0x5f: {  	_ =	shalt  }
0x60: {  	_ =	shalt  }
0x61: {  	_ =	shalt  }
0x62: {  	_ =	shalt  }
0x63: {  	_ =	shalt  }
0x64: {  	_ =	shalt  }
0x65: {  	_ =	shalt  }
0x66: {  	_ =	shalt  }
0x67: {  	_ =	shalt  }
0x68: {  	_ =	shalt  }
0x69: {  	_ =	shalt  }
0x6a: {  	_ =	shalt  }
0x6b: {  	_ =	shalt  }
0x6c: {  	_ =	shalt  }
0x6d: {  	_ =	shalt  }
0x6e: {  	_ =	shalt  }
0x6f: {  	_ =	shalt  }
0x70: {  	_ =	shalt  }
0x71: {  	_ =	shalt  }
0x72: {  	_ =	shalt  }
0x73: {  	_ =	shalt  }
0x74: {  	_ =	shalt  }
0x75: {  	_ =	shalt  }
0x76: {  	_ =	shalt  }
0x77: {  	_ =	shalt  }
0x78: {  	_ =	shalt  }
0x79: {  	_ =	shalt  }
0x7a: {  	_ =	shalt  }
0x7b: {  	_ =	shalt  }
0x7c: {  	_ =	shalt  }
0x7d: {  	_ =	shalt  }
0x7e: {  	_ =	shalt  }
0x7f: {  	_ =	shalt  }
0x80: {  	_ =	shalt  }
0x81: {  	_ =	shalt  }
0x82: {  	_ =	shalt  }
0x83: {  	_ =	shalt  }
0x84: {  	_ =	shalt  }
0x85: {  	_ =	shalt  }
0x86: {  	_ =	shalt  }
0x87: {  	_ =	shalt  }
.Lfunc_end0:
.L_simem_size_0:
called_computation_lowered:
.L_overlay_start_0:
0x88: {  	s2 =	sld [smem:$0x3FD9]  }
0x89: {  	s3 =	sld [smem:$0x3FFE];
	_ =	sdelay $0x1  }
0x8a: {  	s1 =	srdreg.scid  }
0x8b: {  	s0 =	sand.u32 $0x1, s1  }
0x8c: {  	s14 =	sshll.u32 s0, $0xA;
	s2 =	sadd.s32 s3, s2  }
0x8d: {  	s2 =	sadd.s32 s2, s14  }
0x8e: {  	[smem:$0x3FC6] =	sst s2  }
0x8f: {  	_ = 	snop  }
0x90: {  	s2 =	sld [smem:$0x3FD0];
	_ =	sdelay $0x2  }
0x91: {  	s15 =	simm.s32 $0xA;
	s4 =	simm.s32 $0x10  }
0x92: {  	[smem:s4], [sflag:s15] =	dma.local [hbm:s2], $0x1  }
0x93: {  	_ =	swait.eq [sflag:s15], $0x1  }
0x94: {  	s16 =	sld [smem:$0x10];
	[sflag:s15] =	ssyncset.done $0x0  }
0x95: {  	s17 =	sld [smem:$0x11];
	[sflag:s15] =	ssyncadd.s32 $0xFFFFFFFF  }
0x96: {  	s18 =	sld [smem:$0x12];
	(tm) =	ssettm $0x1  }
0x97: {  	s5 =	sld [smem:$0x3FFB];
	_ =	sdelay $0x3  }
0x98: {  	_ =	strace s5  }
0x99: {  	s5 =	sld [smem:$0x3FFC];
	_ =	sdelay $0x3  }
0x9a: {  	_ =	strace s5  }
0x9b: {  	s5 =	sld [smem:$0x3FFD];
	_ =	sdelay $0x3  }
0x9c: {  	_ =	strace s5  }
0x9d: {  	_ =	strace $0x8FFFFFFF  }
0x9e: {  	s19 =	sld [smem:$0x3FDB];
	_ =	sdelay $0x1  }
0x9f: {  	s6 =	simm.s32 $_scs_section_size  }
0xa0: {  	s7 =	simm.s32 $_size__tile_overlayer_lowered;
	s8 =	simm.s32 $_tile_overlayer_lowered  }
0xa1: {  	s22 =	simm.s32 $0x1BFF;
	s21 =	sshll.u32 s8, $0x1;
	s5 =	sadd.s32 s6, s19  }
0xa2: {  	s9 =	simm.s32 $0x0;
	s20 =	sshll.u32 s7, $0x1;
	s7 =	sadd.s32 s21, s5  }
0xa3: {  	[timem:s9], [sflag:s22] =	dma.local [hbm:s7], s20  }
0xa4: {  	_ =	swait.ge [sflag:s22], s20  }
0xa5: {  	s6 =	ssub.s32 $0x0, s20;
	[sflag:s22] =	ssyncset.done $0x0  }
0xa6: {  	[sflag:s22] =	ssyncadd.s32 s6;
	_ =	sdelay $0x1  }
0xa7: {  	s23 =	simm.s32 $0x1B8B  }
0xa8: {  	_ =	swait.ge [sflag:s23], $0x1  }
0xa9: {  	[sflag:s23] =	ssyncset.done $0x0  }
0xaa: {  	s25 =	simm.s32 $0x1B8E;
	s24 =	sld [smem:$0x3FFE];
	[sflag:s23] =	ssyncadd.s32 $0xFFFFFFFF  }
0xab: {  	s26 =	simm.s32 $execute0_lowered;
	[smem:$0x3FD2] =	sst s25  }
0xac: {  	s7 =	sshll.u32 s26, $0x1;
	_ =	strace $0x80000046;
	[dreg:$0x1] =	wrdreg $0xFFFFFFFF  }
0xad: {  	s28 =	simm.s32 $_size_execute0_lowered;
	s5 =	sadd.s32 s5, s7;
	[dreg:$0x0] =	wrdreg $0x0  }
0xae: {  	s7 =	sshll.u32 s28, $0x1;
	[dreg:$0x2] =	wrdreg s5  }
0xaf: {  	[dreg:$0x3] =	wrdreg s7  }
0xb0: {  	[dreg:$0x4] =	wrdreg $0xC0  }
0xb1: {  	_ =	task [dreg:s9], $0x5FFFF  }
0xb2: {  	[dreg:$0x1] =	wrdreg $0xFFFFFFFF  }
0xb3: {  	[dreg:$0x0] =	wrdreg $0x60  }
0xb4: {  	[dreg:$0x2] =	wrdreg s17  }
0xb5: {  	[dreg:$0x3] =	wrdreg s18  }
0xb6: {  	[dreg:$0x4] =	wrdreg s24  }
0xb7: {  	[dreg:$0x5] =	wrdreg s16  }
0xb8: {  	[dreg:$0x6] =	wrdreg $0x9  }
0xb9: {  	_ =	task.clear_ibuf [dreg:s9], $0x7FFFF;
	_ =	strace $0x90000046  }
0xba: {  	s29 =	simm.s32 $0x9;
	_ =	strace $0x80000048  }
0xbb: {  	_ =	swait.ge [sflag:s29], $0x1  }
0xbc: {  	[sflag:s29] =	ssyncadd.s32 $0xFFFFFFFF  }
0xbd: {  	_ =	strace $0x90000048  }
0xbe: {  	_ =	sfence  }
0xbf: {  	s30 =	sld [smem:$0x0];
	_ =	sdelay $0x2  }
0xc0: {  	s31 =	sshll.u32 s1, $0xD;
	s1 =	sshrl.u32 s1, $0x2  }
0xc1: {  	s3 =	sand.u32 $0x4000, s31;
	s1 =	sadd.s32 s1, s30  }
0xc2: {  	s0 =	sor.u32 s3, s0;
	s1 =	sshll.u32 s1, $0x11  }
0xc3: {  	s0 =	sor.u32 s1, s0  }
0xc4: {  	s0 =	sadd.s32 $0x8F2B, s0  }
0xc5: {  	[sflag:s0] =	ssyncadd.remote.s32 $0x1  }
0xc6: {  	_ =	sfence.sel $0xFFFF  }
0xc7: {  	[dreg:$0x0] =	wrdreg $0xFFFFFFFF;
	(pc) =	sbr.abs _section_cstart, $3  }
0xc8: {  	[dreg:$0x1] =	wrdreg $0xFFFFFFFF  }
0xc9: {  	_ =	task.clear_ibuf [dreg:s9], $0x2FFFF;
	_ =	strace $0x9FFFFFFF  }
0xca: {  	(tm) =	ssettm $0x7FFFFFFF  }
0xcb: {  	_ =	shalt  }
tec
execute0_lowered:
.L_overlay_start_1:
0x0: {  	(tag) =	ssettag $0x1  }
0x1: {  	s3 =	rddreg [dreg:$0x0]  }
0x2: {  	s5 =	rddreg [dreg:$0x1]  }
0x3: {  	s21 =	rddreg [dreg:$0x2]  }
0x4: {  	s1 =	srdreg.scid;
	s0 =	stileid.u32  }
0x5: {  	s20 =	rddreg [dreg:$0x3];
	s22 =	sand.u32 $0x1, s1;
	s4 =	sshll.u32 s0, $0x1  }
0x6: {  	s2 =	simm.s32 $0x0;
	s1 =	rddreg [dreg:$0x4];
	s6 =	sor.u32 s22, s4  }
0x7: {  	[smem:$0x7FF] =	sst s2;
	s4 =	sshll.u32 s6, $0x6  }
0x8: {  	_ =	strace $0x80000047;
	s4 =	sadd.s32 s3, s4;
	s3 =	simm.s32 $0x3  }
0x9: {  	[tilespmem:s2], [sflag:$0x3] =	stream.linear.gather [hbm4b:s4+s2], $0x200, $0x38;
	[tilespmem:$0x10200] =	vst v63  }
0xa: {  	_ =	swait.ge [sflag:s3], $0x200  }
0xb: {  	s23 =	sshll.u32 s6, $0xC;
	[sflag:s3] =	ssyncset.done $0x0  }
0xc: {  	s6 =	simm.s32 $0x8200;
	s5 =	sadd.s32 s5, s23;
	[sflag:s3] =	ssyncadd.s32 $0xFFFFFE00  }
0xd: {  	[tilespmem:s6], [sflag:$0x3] =	stream.linear.gather [hbm4b:s5+s2], $0x8000, $0x38;
	[tilespmem:$0x10200] =	vst v63  }
0xe: {  	_ =	swait.ge [sflag:s3], $0x8000  }
0xf: {  	s8 =	simm.s32 $0x80;
	[sflag:s3] =	ssyncset.done $0x0  }
0x10: {  	s9 =	simm.s32 $0x200;
	s7 =	sadd.s32 $0xC00, s21;
	[sflag:s3] =	ssyncadd.s32 $0xFFFF8000  }
0x11: {  	[tilespmem:s9], [sflag:$0x1] =	stream.indirect.gather [hbm4b:s7+s8], $0x40, s2, s8, $0xb8;
	[tilespmem:$0x10200] =	vst v63  }
0x12: {  	_ = 	snop  }
0x13: {  	[tilespmem:s6], [sflag:$0x2] =	stream.indirect.gather.add.f32 [hbm:s7], $0x40, s2, s8, $0xb8;
	[tilespmem:$0x10200] =	vst v63  }
0x14: {  	s10 =	simm.s32 $0x2200  }
0x15: {  	[tilespmem:s10], [sflag:$0x1] =	stream.indirect.gather [hbm4b:s7+s8], $0x40, s8, s8, $0xb8;
	[tilespmem:$0x10200] =	vst v63  }
0x16: {  	s11 =	simm.s32 $0xA200  }
0x17: {  	[tilespmem:s11], [sflag:$0x2] =	stream.indirect.gather.add.f32 [hbm:s7], $0x40, s8, s8, $0xb8;
	[tilespmem:$0x10200] =	vst v63  }
0x18: {  	s12 =	simm.s32 $0x100;
	s13 =	simm.s32 $0x4200  }
0x19: {  	[tilespmem:s13], [sflag:$0x1] =	stream.indirect.gather [hbm4b:s7+s8], $0x40, s12, s8, $0xb8;
	[tilespmem:$0x10200] =	vst v63  }
0x1a: {  	s14 =	simm.s32 $0xC200  }
0x1b: {  	[tilespmem:s14], [sflag:$0x2] =	stream.indirect.gather.add.f32 [hbm:s7], $0x40, s12, s8, $0xb8;
	[tilespmem:$0x10200] =	vst v63  }
0x1c: {  	s15 =	simm.s32 $0x180;
	s16 =	simm.s32 $0x6200  }
0x1d: {  	[tilespmem:s16], [sflag:$0x1] =	stream.indirect.gather [hbm4b:s7+s8], $0x40, s15, s8, $0xb8;
	[tilespmem:$0x10200] =	vst v63  }
0x1e: {  	s17 =	simm.s32 $0xE200;
	s18 =	simm.s32 $0x1  }
0x1f: {  	[tilespmem:s17], [sflag:$0x2] =	stream.indirect.gather.add.f32 [hbm:s7], $0x40, s15, s8, $0xb8;
	[tilespmem:$0x10200] =	vst v63  }
0x20: {  	_ =	swait.ge [sflag:s18], $0x2000  }
0x21: {  	[sflag:s18] =	ssyncset.done $0x0  }
0x22: {  	s19 =	simm.s32 $0x2;
	[sflag:s18] =	ssyncadd.s32 $0xFFFFE000  }
0x23: {  	_ =	swait.ge [sflag:s19], $0x2000  }
0x24: {  	[sflag:s19] =	ssyncset.done $0x0  }
0x25: {  	[sflag:s19] =	ssyncadd.s32 $0xFFFFE000  }
0x26: {  	_ =	swait.ge [sflag:s18], $0x2000  }
0x27: {  	[sflag:s18] =	ssyncset.done $0x0  }
0x28: {  	[sflag:s18] =	ssyncadd.s32 $0xFFFFE000  }
0x29: {  	_ =	swait.ge [sflag:s19], $0x2000  }
0x2a: {  	[sflag:s19] =	ssyncset.done $0x0  }
0x2b: {  	[sflag:s19] =	ssyncadd.s32 $0xFFFFE000  }
0x2c: {  	_ =	swait.ge [sflag:s18], $0x2000  }
0x2d: {  	[sflag:s18] =	ssyncset.done $0x0  }
0x2e: {  	[sflag:s18] =	ssyncadd.s32 $0xFFFFE000  }
0x2f: {  	_ =	swait.ge [sflag:s19], $0x2000  }
0x30: {  	[sflag:s19] =	ssyncset.done $0x0  }
0x31: {  	[sflag:s19] =	ssyncadd.s32 $0xFFFFE000  }
0x32: {  	_ =	swait.ge [sflag:s18], $0x2000  }
0x33: {  	[sflag:s18] =	ssyncset.done $0x0  }
0x34: {  	s22 =	ssub.s32 $0x2, s22;
	[sflag:s18] =	ssyncadd.s32 $0xFFFFE000  }
0x35: {  	s24 =	sshrl.u32 s22, $0x1;
	_ =	swait.ge [sflag:s19], $0x2000  }
0x36: {  	s22 =	ssub.s32 s22, s24;
	[sflag:s19] =	ssyncset.done $0x0  }
0x37: {  	s20 =	sadd.s32 s20, s23;
	s22 =	smax.u32 s22, $0x1;
	[sflag:s19] =	ssyncadd.s32 $0xFFFFE000  }
0x38: {  	[hbm4b:s20+s2] =	stream.linear.scatter [tilespmem:s9], [sflag:$0x3], $0x8000, $0x38;
	[tilespmem:$0x10200] =	vst v63  }
0x39: {  	p0 =	sne.s32 s22, $0x1;
	_ =	swait.ge [sflag:s3], $0x8000  }
.Ltmp0:
0x3a: {  	s21 =	sadd.s32 s23, s21;
	[sflag:s3] =	ssyncset.done $0x0;
	(pc) =	sbr.rel @!p0 .LBB2_2-.Ltmp0, $4  }
0x3b: {  	s21 =	sadd.s32 $0x2C00, s21;
	[sflag:s3] =	ssyncadd.s32 $0xFFFF8000  }
0x3c: {  	[hbm4b:s21+s2] =	stream.linear.scatter [tilespmem:s6], [sflag:$0x3], $0x8000, $0x38;
	[tilespmem:$0x10200] =	vst v63  }
0x3d: {  	_ =	swait.ge [sflag:s3], $0x8000  }
0x3e: {  	s22 =	sadd.s32 $0xFFFFFFFF, s22;
	[sflag:s3] =	ssyncset.done $0x0  }
.LBB2_1:
0x3f: {  	p0 =	sne.s32 s22, $0x1;
	s22 =	sadd.s32 $0xFFFFFFFF, s22;
	[sflag:s3] =	ssyncadd.s32 $0xFFFF8000  }
0x40: {  	[tilespmem:s2], [sflag:$0x3] =	stream.linear.gather [hbm4b:s4+s2], $0x200, $0x38;
	[tilespmem:$0x10200] =	vst v63  }
0x41: {  	_ =	swait.ge [sflag:s3], $0x200  }
0x42: {  	[sflag:s3] =	ssyncset.done $0x0  }
0x43: {  	[sflag:s3] =	ssyncadd.s32 $0xFFFFFE00  }
0x44: {  	[tilespmem:s6], [sflag:$0x3] =	stream.linear.gather [hbm4b:s5+s2], $0x8000, $0x38;
	[tilespmem:$0x10200] =	vst v63  }
0x45: {  	_ =	swait.ge [sflag:s3], $0x8000  }
0x46: {  	[sflag:s3] =	ssyncset.done $0x0  }
0x47: {  	[sflag:s3] =	ssyncadd.s32 $0xFFFF8000  }
0x48: {  	[tilespmem:s9], [sflag:$0x1] =	stream.indirect.gather [hbm4b:s7+s8], $0x40, s2, s8, $0xb8;
	[tilespmem:$0x10200] =	vst v63  }
0x49: {  	_ = 	snop  }
0x4a: {  	[tilespmem:s6], [sflag:$0x2] =	stream.indirect.gather.add.f32 [hbm:s7], $0x40, s2, s8, $0xb8;
	[tilespmem:$0x10200] =	vst v63  }
0x4b: {  	_ = 	snop  }
0x4c: {  	[tilespmem:s10], [sflag:$0x1] =	stream.indirect.gather [hbm4b:s7+s8], $0x40, s8, s8, $0xb8;
	[tilespmem:$0x10200] =	vst v63  }
0x4d: {  	_ = 	snop  }
0x4e: {  	[tilespmem:s11], [sflag:$0x2] =	stream.indirect.gather.add.f32 [hbm:s7], $0x40, s8, s8, $0xb8;
	[tilespmem:$0x10200] =	vst v63  }
0x4f: {  	_ = 	snop  }
0x50: {  	[tilespmem:s13], [sflag:$0x1] =	stream.indirect.gather [hbm4b:s7+s8], $0x40, s12, s8, $0xb8;
	[tilespmem:$0x10200] =	vst v63  }
0x51: {  	_ = 	snop  }
0x52: {  	[tilespmem:s14], [sflag:$0x2] =	stream.indirect.gather.add.f32 [hbm:s7], $0x40, s12, s8, $0xb8;
	[tilespmem:$0x10200] =	vst v63  }
0x53: {  	_ = 	snop  }
0x54: {  	[tilespmem:s16], [sflag:$0x1] =	stream.indirect.gather [hbm4b:s7+s8], $0x40, s15, s8, $0xb8;
	[tilespmem:$0x10200] =	vst v63  }
0x55: {  	_ = 	snop  }
0x56: {  	[tilespmem:s17], [sflag:$0x2] =	stream.indirect.gather.add.f32 [hbm:s7], $0x40, s15, s8, $0xb8;
	[tilespmem:$0x10200] =	vst v63  }
0x57: {  	_ =	swait.ge [sflag:s18], $0x2000  }
0x58: {  	[sflag:s18] =	ssyncset.done $0x0  }
0x59: {  	[sflag:s18] =	ssyncadd.s32 $0xFFFFE000  }
0x5a: {  	_ =	swait.ge [sflag:s19], $0x2000  }
0x5b: {  	[sflag:s19] =	ssyncset.done $0x0  }
0x5c: {  	[sflag:s19] =	ssyncadd.s32 $0xFFFFE000  }
0x5d: {  	_ =	swait.ge [sflag:s18], $0x2000  }
0x5e: {  	[sflag:s18] =	ssyncset.done $0x0  }
0x5f: {  	[sflag:s18] =	ssyncadd.s32 $0xFFFFE000  }
0x60: {  	_ =	swait.ge [sflag:s19], $0x2000  }
0x61: {  	[sflag:s19] =	ssyncset.done $0x0  }
0x62: {  	[sflag:s19] =	ssyncadd.s32 $0xFFFFE000  }
0x63: {  	_ =	swait.ge [sflag:s18], $0x2000  }
0x64: {  	[sflag:s18] =	ssyncset.done $0x0  }
0x65: {  	[sflag:s18] =	ssyncadd.s32 $0xFFFFE000  }
0x66: {  	_ =	swait.ge [sflag:s19], $0x2000  }
0x67: {  	[sflag:s19] =	ssyncset.done $0x0  }
0x68: {  	[sflag:s19] =	ssyncadd.s32 $0xFFFFE000  }
0x69: {  	_ =	swait.ge [sflag:s18], $0x2000  }
0x6a: {  	[sflag:s18] =	ssyncset.done $0x0  }
0x6b: {  	[sflag:s18] =	ssyncadd.s32 $0xFFFFE000  }
0x6c: {  	_ =	swait.ge [sflag:s19], $0x2000  }
0x6d: {  	[sflag:s19] =	ssyncset.done $0x0  }
0x6e: {  	[sflag:s19] =	ssyncadd.s32 $0xFFFFE000  }
0x6f: {  	[hbm4b:s20+s2] =	stream.linear.scatter [tilespmem:s9], [sflag:$0x3], $0x8000, $0x38;
	[tilespmem:$0x10200] =	vst v63  }
0x70: {  	_ =	swait.ge [sflag:s3], $0x8000  }
.Ltmp1:
0x71: {  	[sflag:s3] =	ssyncset.done $0x0;
	(pc) =	sbr.rel @p0 .LBB2_1-.Ltmp1, $4  }
0x72: {  	[sflag:s3] =	ssyncadd.s32 $0xFFFF8000  }
0x73: {  	[hbm4b:s21+s2] =	stream.linear.scatter [tilespmem:s6], [sflag:$0x3], $0x8000, $0x38;
	[tilespmem:$0x10200] =	vst v63  }
0x74: {  	_ =	swait.ge [sflag:s3], $0x8000  }
0x75: {  	[sflag:s3] =	ssyncset.done $0x0  }
.LBB2_2:
0x76: {  	[sflag:s3] =	ssyncadd.s32 $0xFFFF8000  }
0x77: {  	_ =	sfence.sel $0x180000  }
0x78: {  	[bflag:$0x0] =	sbarrier.arrive $0xFFFF  }
0x79: {  	p0 =	sne.s32 s0, $0x0;
	_ =	strace $0x90000047  }
0x7a: {  	s0 =	sadd.s32 @!p0 $0x100000, s1;
	[bflag:$0x2] =	sbarrier.arrive $0xFFFF  }
0x7b: {  	[sflag:s0] =	ssyncadd.tile.s32 @!p0 $0x1;
	_ =	shalt  }
.Lfunc_end2:
_tile_overlayer_lowered:
.L_overlay_start_2:
0x7c: {  	(tag) =	ssettag $0x2  }
0x7d: {  	s0 =	rddreg [dreg:$0x0];
	s2 =	stileid.u32  }
0x7e: {  	s1 =	rddreg [dreg:$0x1];
	p0 =	sne.s32 s2, $0x0  }
0x7f: {  	s3 =	rddreg [dreg:$0x2];
	[bflag:$0x3] =	sbarrier.arrive $0xFFFF;
	s2 =	simm.s32 @!p0 $0x1C03  }
0x80: {  	[timem:s3], [sflag:s2] =	dma.local @!p0 [hbm:s0], s1  }
0x81: {  	s0 =	simm.s32 @!p0 $0x3  }
0x82: {  	_ =	swait.ge @!p0 [sflag:s0], s1  }
0x83: {  	s1 =	ssub.s32 @!p0 $0x0, s1;
	[sflag:s0] =	ssyncset.done @!p0 $0x0  }
0x84: {  	[sflag:s0] =	ssyncadd.s32 @!p0 s1  }
0x85: {  	[bflag:$0x3] =	sbarrier.arrive $0xFFFF  }
0x86: {  	_ =	shalt  }

</sc_bundles>
